<compile_context>
chip_gen: v7x
topology: tpu7x:2x2x1
jax: 0.10.2.dev20260603
libtpu: 0.0.44.dev20260713+nightly
codegen_flags: <defaults>
</compile_context>

<pallas_src>
import jax
import jax.numpy as jnp
from jax import lax
from jax.experimental import pallas as pl
from jax.experimental.pallas import tpu as pltpu
from jax.experimental.pallas import tpu_sc as plsc

_N = 20000
_NPAD = 20480
_ROWS = 160
_K = 1000
_MAX_DETS = 100
_THR = 0.5
_NEG = float("-inf")

_NTILE = 10
_PER = _NPAD // _NTILE
_CAP = 1024
_OUTLEN = _CAP + _NPAD


def _select_body(s_ref, o_ref):
    S = s_ref[...]
    bits = lax.bitcast_convert_type(S, jnp.int32)
    IDX = (lax.broadcasted_iota(jnp.int32, (_ROWS, 128), 0) * 128
           + lax.broadcasted_iota(jnp.int32, (_ROWS, 128), 1))

    def bs1(_, lohi):
        lo, hi = lohi
        mid = lo + (hi - lo) // 2
        ge = jnp.sum((bits >= mid).astype(jnp.int32)) >= _K
        return (jnp.where(ge, mid, lo), jnp.where(ge, hi, mid))

    lo, _ = lax.fori_loop(0, 31, bs1, (jnp.int32(0), jnp.int32(0x7F800000)))
    m = _K - jnp.sum((bits > lo).astype(jnp.int32))
    tie = bits == lo

    def bs2(_, lohi):
        lo2, hi2 = lohi
        mid = (lo2 + hi2) // 2
        ge = jnp.sum((tie & (IDX < mid)).astype(jnp.int32)) >= m
        return (jnp.where(ge, lo2, mid), jnp.where(ge, mid, hi2))

    _, p = lax.fori_loop(0, 15, bs2, (jnp.int32(0), jnp.int32(_NPAD)))
    sel = (bits > lo) | (tie & (IDX < p))
    self_ = jnp.where(sel, jnp.float32(1), jnp.float32(0))
    ku = lax.broadcasted_iota(jnp.int32, (128, 128), 0)
    ju = lax.broadcasted_iota(jnp.int32, (128, 128), 1)
    U = jnp.where(ku <= ju, jnp.float32(1), jnp.float32(0))
    c1 = jnp.dot(self_, U, preferred_element_type=jnp.float32)
    rowtot = c1[:, 127:128]
    rl = lax.broadcasted_iota(jnp.int32, (_ROWS, _ROWS), 0)
    ql = lax.broadcasted_iota(jnp.int32, (_ROWS, _ROWS), 1)
    L = jnp.where(ql < rl, jnp.float32(1), jnp.float32(0))
    rowoff = jnp.dot(L, rowtot, preferred_element_type=jnp.float32)
    rank = (rowoff + c1 - self_).astype(jnp.int32)
    o_ref[...] = jnp.where(sel, rank, IDX + _CAP)


def _sc_scatter_body(d_hbm, s_hbm, x1_hbm, y1_hbm, x2_hbm, y2_hbm,
                     s_out, x1_out, y1_out, x2_out, y2_out,
                     dv, sv, xv1, yv1, xv2, yv2, sem):
    cid = lax.axis_index("c")
    sid = lax.axis_index("s")

    @pl.when((cid == 0) & (sid < _NTILE))
    def _scatter():
        base = sid * _PER
        cps = [pltpu.async_copy(d_hbm.at[pl.ds(sid * 16, 16)], dv, sem),
               pltpu.async_copy(s_hbm.at[pl.ds(base, _PER)], sv, sem),
               pltpu.async_copy(x1_hbm.at[pl.ds(base, _PER)], xv1, sem),
               pltpu.async_copy(y1_hbm.at[pl.ds(base, _PER)], yv1, sem),
               pltpu.async_copy(x2_hbm.at[pl.ds(base, _PER)], xv2, sem),
               pltpu.async_copy(y2_hbm.at[pl.ds(base, _PER)], yv2, sem)]
        for c in cps:
            c.wait()
        copies = []
        for c in copies:
            c.wait()


def _nms_body(x1_ref, y1_ref, x2_ref, y2_ref, s_ref, out_ref, sc_ref):
    X1 = x1_ref[...]
    Y1 = y1_ref[...]
    X2 = x2_ref[...]
    Y2 = y2_ref[...]
    AB = (X2 - X1) * (Y2 - Y1)
    IDX = (lax.broadcasted_iota(jnp.int32, (8, 128), 0) * 128
           + lax.broadcasted_iota(jnp.int32, (8, 128), 1))
    sc_ref[...] = jnp.where(IDX < _K, s_ref[...], _NEG)

    def nms(i, out):
        Sv = sc_ref[...]
        M = jnp.max(Sv)
        valid = M > _NEG
        idx = jnp.min(jnp.where(Sv == M, IDX, jnp.int32(0x7FFFFFFF)))
        r = idx // 128
        c = idx % 128
        lm = lax.broadcasted_iota(jnp.int32, (1, 128), 1) == c
        bx1 = jnp.sum(jnp.where(lm, x1_ref[pl.ds(r, 1), :], 0.0))
        by1 = jnp.sum(jnp.where(lm, y1_ref[pl.ds(r, 1), :], 0.0))
        bx2 = jnp.sum(jnp.where(lm, x2_ref[pl.ds(r, 1), :], 0.0))
        by2 = jnp.sum(jnp.where(lm, y2_ref[pl.ds(r, 1), :], 0.0))
        xx1 = jnp.maximum(bx1, X1)
        yy1 = jnp.maximum(by1, Y1)
        xx2 = jnp.minimum(bx2, X2)
        yy2 = jnp.minimum(by2, Y2)
        inter = jnp.maximum(xx2 - xx1, 0.0) * jnp.maximum(yy2 - yy1, 0.0)
        area_a = (bx2 - bx1) * (by2 - by1)
        union = area_a + AB - inter
        iou = inter / jnp.maximum(union, 1e-9)
        sc_ref[...] = jnp.where(iou >= _THR, _NEG, Sv)
        sc_ref[pl.ds(r, 1), :] = jnp.where(lm, _NEG, sc_ref[pl.ds(r, 1), :])

        row = lax.broadcasted_iota(jnp.int32, (128, 8), 0)
        colv = lax.broadcasted_iota(jnp.int32, (128, 8), 1)
        z = jnp.float32(0.0)
        vals = (jnp.where(colv == 0, jnp.where(valid, bx1, z), z)
                + jnp.where(colv == 1, jnp.where(valid, by1, z), z)
                + jnp.where(colv == 2, jnp.where(valid, bx2, z), z)
                + jnp.where(colv == 3, jnp.where(valid, by2, z), z)
                + jnp.where(colv == 4, jnp.where(valid, M, z), z))
        return jnp.where(row == i, vals, out)

    out_ref[...] = lax.fori_loop(
        0, _MAX_DETS, nms, jnp.zeros((128, 8), jnp.float32))


def kernel(boxes, scores):
    f32 = jnp.float32
    b = jnp.pad(boxes, ((0, _NPAD - _N), (0, 0)))
    s = jnp.pad(scores, (0, _NPAD - _N), constant_values=-1.0)
    x1 = b[:, 0]
    y1 = b[:, 1]
    x2 = b[:, 2]
    y2 = b[:, 3]

    dest = pl.pallas_call(
        _select_body,
        out_shape=jax.ShapeDtypeStruct((_ROWS, 128), jnp.int32),
    )(s.reshape(_ROWS, 128))

    sc_fn = pl.kernel(
        _sc_scatter_body,
        out_type=[jax.ShapeDtypeStruct((_OUTLEN,), f32) for _ in range(5)],
        mesh=plsc.VectorSubcoreMesh(core_axis_name="c", subcore_axis_name="s"),
        scratch_types=[
            pltpu.VMEM((16, 128), jnp.int32),
            pltpu.VMEM((_PER,), f32),
            pltpu.VMEM((_PER,), f32),
            pltpu.VMEM((_PER,), f32),
            pltpu.VMEM((_PER,), f32),
            pltpu.VMEM((_PER,), f32),
            pltpu.SemaphoreType.DMA,
        ],
    )
    s_c, x1_c, y1_c, x2_c, y2_c = sc_fn(dest, s, x1, y1, x2, y2)

    out = pl.pallas_call(
        _nms_body,
        out_shape=jax.ShapeDtypeStruct((128, 8), f32),
        scratch_shapes=[pltpu.VMEM((8, 128), f32)],
    )(x1_c[:_CAP].reshape(8, 128), y1_c[:_CAP].reshape(8, 128),
      x2_c[:_CAP].reshape(8, 128), y2_c[:_CAP].reshape(8, 128),
      s_c[:_CAP].reshape(8, 128))
    return out[:_MAX_DETS, :5]

# --- scband reference (transcript-rebuilt; emitter-appended) ---
"""Pipeline reference for scband-sbd-66494683676964 (READ-ONLY COPY).

The authoritative reference and input builder live on the scoring server;
editing this copy changes nothing except your own understanding.
"""

import jax, jax.numpy as jnp
import numpy as np

NMS_CANDIDATES = 1000
NMS_THR = 0.5
MAX_DETS = 100
N_BOXES = 20000


def setup_inputs(seed: int = 0) -> dict:
    key = jax.random.key(seed)
    k1, k2, k3 = jax.random.split(key, 3)
    xy = jax.random.uniform(k1, (N_BOXES, 2), dtype=jnp.float32) * 800.0
    wh = jax.random.uniform(k2, (N_BOXES, 2), dtype=jnp.float32) * 200.0 + 1.0
    boxes = jnp.concatenate([xy, xy + wh], axis=1)
    scores = jax.random.uniform(k3, (N_BOXES,), dtype=jnp.float32)
    return {"boxes": boxes, "scores": scores}


def _box_iou_one_to_many(box, boxes):
    x1 = jnp.maximum(box[0], boxes[:, 0])
    y1 = jnp.maximum(box[1], boxes[:, 1])
    x2 = jnp.minimum(box[2], boxes[:, 2])
    y2 = jnp.minimum(box[3], boxes[:, 3])
    inter = jnp.clip(x2 - x1, 0.0) * jnp.clip(y2 - y1, 0.0)
    area_a = (box[2] - box[0]) * (box[3] - box[1])
    area_b = (boxes[:, 2] - boxes[:, 0]) * (boxes[:, 3] - boxes[:, 1])
    union = area_a + area_b - inter
    return inter / jnp.maximum(union, 1e-9)


def _nms_indices(boxes, scores, iou_thr, max_dets):
    neg_inf = jnp.array(-jnp.inf, dtype=scores.dtype)

    def body(i, state):
        s, keep = state
        idx = jnp.argmax(s)
        is_valid = s[idx] > neg_inf
        keep = keep.at[i].set(jnp.where(is_valid, idx.astype(jnp.int32), -1))
        ious = _box_iou_one_to_many(boxes[idx], boxes)
        suppress = ious >= iou_thr
        s = jnp.where(suppress, neg_inf, s)
        s = s.at[idx].set(neg_inf)
        return s, keep

    keep0 = jnp.full((max_dets,), -1, dtype=jnp.int32)
    _, keep = jax.lax.fori_loop(0, max_dets, body, (scores, keep0))
    return keep


def reference(boxes, scores):
    # Duplicate-removal path of SBD prediction (pred_dict: dup_removal='nms').
    # 1) retain top nms_candidates by score
    cand_scores, cand_idx = jax.lax.top_k(scores, NMS_CANDIDATES)
    cand_boxes = jnp.take(boxes, cand_idx, axis=0)
    # 2) NMS with IoU threshold nms_thr, keeping at most max_dets detections
    keep = _nms_indices(cand_boxes, cand_scores, NMS_THR, MAX_DETS)
    valid = (keep >= 0).astype(boxes.dtype)
    safe = jnp.where(keep >= 0, keep, 0)
    det_boxes = jnp.take(cand_boxes, safe, axis=0) * valid[:, None]
    det_scores = jnp.take(cand_scores, safe) * valid
    return jnp.concatenate([det_boxes, det_scores[:, None]], axis=1)

if __name__ == "__main__":
    import jax
    _d = setup_inputs()
    print(jax.jit(kernel)(*tuple(_d.values())))

</pallas_src>

<mosaic_0001>
#map = affine_map<(d0, d1) -> (0, 0)>
#map1 = affine_map<(d0, d1) -> (0)>
module attributes {stable_mosaic.version = 14 : i64} {
  func.func @_sc_scatter_body(%arg0: i32, %arg1: i32, %arg2: memref<160x128xi32, #tpu.memory_space<hbm>>, %arg3: memref<20480xf32, #tpu.memory_space<hbm>>, %arg4: memref<20480xf32, #tpu.memory_space<hbm>>, %arg5: memref<20480xf32, #tpu.memory_space<hbm>>, %arg6: memref<20480xf32, #tpu.memory_space<hbm>>, %arg7: memref<20480xf32, #tpu.memory_space<hbm>>, %arg8: memref<21504xf32, #tpu.memory_space<hbm>>, %arg9: memref<21504xf32, #tpu.memory_space<hbm>>, %arg10: memref<21504xf32, #tpu.memory_space<hbm>>, %arg11: memref<21504xf32, #tpu.memory_space<hbm>>, %arg12: memref<21504xf32, #tpu.memory_space<hbm>>, %arg13: memref<16x128xi32, #tpu.memory_space<vmem>>, %arg14: memref<2048xf32, #tpu.memory_space<vmem>>, %arg15: memref<2048xf32, #tpu.memory_space<vmem>>, %arg16: memref<2048xf32, #tpu.memory_space<vmem>>, %arg17: memref<2048xf32, #tpu.memory_space<vmem>>, %arg18: memref<2048xf32, #tpu.memory_space<vmem>>, %arg19: memref<!tpu.dma_semaphore, #tpu.memory_space<semaphore_mem>>) attributes {dimension_semantics = [#tpu.dimension_semantics<core_parallel>, #tpu.dimension_semantics<subcore_parallel>], iteration_bounds = array<i64: 2, 16>, scalar_prefetch = 0 : i64, scratch_operands = 7 : i64, tpu.core_type = #tpu.core_type<sc_vector_subcore>, window_params = [{transform_indices = #map}, {transform_indices = #map1}, {transform_indices = #map1}, {transform_indices = #map1}, {transform_indices = #map1}, {transform_indices = #map1}, {transform_indices = #map1}, {transform_indices = #map1}, {transform_indices = #map1}, {transform_indices = #map1}, {transform_indices = #map1}]} {
    %eq3A = arith.constant 0 : i32
    %eq3A_0 = arith.cmpi eq, %arg0, %eq3A : i32
    %lt3A = arith.constant 10 : i32
    %lt3A_1 = arith.cmpi slt, %arg1, %lt3A : i32
    %and3A = arith.andi %eq3A_0, %lt3A_1 : i1
    %convert_element_type3A = arith.extui %and3A : i1 to i32
    %cond3A = arith.constant 0 : i32
    %cond3A_2 = arith.cmpi ne, %convert_element_type3A, %cond3A : i32
    scf.if %cond3A_2 {
      %mul3A = arith.constant 2048 : i32
      %mul3A_3 = arith.muli %arg1, %mul3A : i32
      %mul3A_4 = arith.constant 16 : i32
      %mul3A_5 = arith.muli %arg1, %mul3A_4 : i32
      %dma_start3A = arith.constant 0 : i32
      %dma_start3A_6 = tpu.memref_slice %arg2[%mul3A_5, %dma_start3A] : memref<160x128xi32, #tpu.memory_space<hbm>> -> memref<16x128xi32, #tpu.memory_space<hbm>>
      %dma_start3A_7 = arith.constant 0 : i32
      %dma_start3A_8 = tpu.memref_slice %arg2[%mul3A_5, %dma_start3A_7] : memref<160x128xi32, #tpu.memory_space<hbm>> -> memref<16x128xi32, #tpu.memory_space<hbm>>
      tpu.enqueue_dma source(%dma_start3A_8 : memref<16x128xi32, #tpu.memory_space<hbm>>) target(%arg13 : memref<16x128xi32, #tpu.memory_space<vmem>>) target_semaphore(%arg19 : memref<!tpu.dma_semaphore, #tpu.memory_space<semaphore_mem>>)
      %dma_start3A_9 = tpu.memref_slice %arg3[%mul3A_3] : memref<20480xf32, #tpu.memory_space<hbm>> -> memref<2048xf32, #tpu.memory_space<hbm>>
      %dma_start3A_10 = tpu.memref_slice %arg3[%mul3A_3] : memref<20480xf32, #tpu.memory_space<hbm>> -> memref<2048xf32, #tpu.memory_space<hbm>>
      tpu.enqueue_dma source(%dma_start3A_10 : memref<2048xf32, #tpu.memory_space<hbm>>) target(%arg14 : memref<2048xf32, #tpu.memory_space<vmem>>) target_semaphore(%arg19 : memref<!tpu.dma_semaphore, #tpu.memory_space<semaphore_mem>>)
      %dma_start3A_11 = tpu.memref_slice %arg4[%mul3A_3] : memref<20480xf32, #tpu.memory_space<hbm>> -> memref<2048xf32, #tpu.memory_space<hbm>>
      %dma_start3A_12 = tpu.memref_slice %arg4[%mul3A_3] : memref<20480xf32, #tpu.memory_space<hbm>> -> memref<2048xf32, #tpu.memory_space<hbm>>
      tpu.enqueue_dma source(%dma_start3A_12 : memref<2048xf32, #tpu.memory_space<hbm>>) target(%arg15 : memref<2048xf32, #tpu.memory_space<vmem>>) target_semaphore(%arg19 : memref<!tpu.dma_semaphore, #tpu.memory_space<semaphore_mem>>)
      %dma_start3A_13 = tpu.memref_slice %arg5[%mul3A_3] : memref<20480xf32, #tpu.memory_space<hbm>> -> memref<2048xf32, #tpu.memory_space<hbm>>
      %dma_start3A_14 = tpu.memref_slice %arg5[%mul3A_3] : memref<20480xf32, #tpu.memory_space<hbm>> -> memref<2048xf32, #tpu.memory_space<hbm>>
      tpu.enqueue_dma source(%dma_start3A_14 : memref<2048xf32, #tpu.memory_space<hbm>>) target(%arg16 : memref<2048xf32, #tpu.memory_space<vmem>>) target_semaphore(%arg19 : memref<!tpu.dma_semaphore, #tpu.memory_space<semaphore_mem>>)
      %dma_start3A_15 = tpu.memref_slice %arg6[%mul3A_3] : memref<20480xf32, #tpu.memory_space<hbm>> -> memref<2048xf32, #tpu.memory_space<hbm>>
      %dma_start3A_16 = tpu.memref_slice %arg6[%mul3A_3] : memref<20480xf32, #tpu.memory_space<hbm>> -> memref<2048xf32, #tpu.memory_space<hbm>>
      tpu.enqueue_dma source(%dma_start3A_16 : memref<2048xf32, #tpu.memory_space<hbm>>) target(%arg17 : memref<2048xf32, #tpu.memory_space<vmem>>) target_semaphore(%arg19 : memref<!tpu.dma_semaphore, #tpu.memory_space<semaphore_mem>>)
      %dma_start3A_17 = tpu.memref_slice %arg7[%mul3A_3] : memref<20480xf32, #tpu.memory_space<hbm>> -> memref<2048xf32, #tpu.memory_space<hbm>>
      %dma_start3A_18 = tpu.memref_slice %arg7[%mul3A_3] : memref<20480xf32, #tpu.memory_space<hbm>> -> memref<2048xf32, #tpu.memory_space<hbm>>
      tpu.enqueue_dma source(%dma_start3A_18 : memref<2048xf32, #tpu.memory_space<hbm>>) target(%arg18 : memref<2048xf32, #tpu.memory_space<vmem>>) target_semaphore(%arg19 : memref<!tpu.dma_semaphore, #tpu.memory_space<semaphore_mem>>)
      %dma_wait3A = arith.constant 0 : i32
      %dma_wait3A_19 = tpu.memref_slice %arg2[%mul3A_5, %dma_wait3A] : memref<160x128xi32, #tpu.memory_space<hbm>> -> memref<16x128xi32, #tpu.memory_space<hbm>>
      %dma_wait3A_20 = arith.constant 0 : i32
      %dma_wait3A_21 = tpu.memref_slice %arg2[%mul3A_5, %dma_wait3A_20] : memref<160x128xi32, #tpu.memory_space<hbm>> -> memref<16x128xi32, #tpu.memory_space<hbm>>
      tpu.wait_dma2 semaphore(%arg19 : memref<!tpu.dma_semaphore, #tpu.memory_space<semaphore_mem>>) src(%dma_wait3A_21 : memref<16x128xi32, #tpu.memory_space<hbm>>) dst(%arg13 : memref<16x128xi32, #tpu.memory_space<vmem>>)
      %dma_wait3A_22 = tpu.memref_slice %arg3[%mul3A_3] : memref<20480xf32, #tpu.memory_space<hbm>> -> memref<2048xf32, #tpu.memory_space<hbm>>
      %dma_wait3A_23 = tpu.memref_slice %arg3[%mul3A_3] : memref<20480xf32, #tpu.memory_space<hbm>> -> memref<2048xf32, #tpu.memory_space<hbm>>
      tpu.wait_dma2 semaphore(%arg19 : memref<!tpu.dma_semaphore, #tpu.memory_space<semaphore_mem>>) src(%dma_wait3A_23 : memref<2048xf32, #tpu.memory_space<hbm>>) dst(%arg14 : memref<2048xf32, #tpu.memory_space<vmem>>)
      %dma_wait3A_24 = tpu.memref_slice %arg4[%mul3A_3] : memref<20480xf32, #tpu.memory_space<hbm>> -> memref<2048xf32, #tpu.memory_space<hbm>>
      %dma_wait3A_25 = tpu.memref_slice %arg4[%mul3A_3] : memref<20480xf32, #tpu.memory_space<hbm>> -> memref<2048xf32, #tpu.memory_space<hbm>>
      tpu.wait_dma2 semaphore(%arg19 : memref<!tpu.dma_semaphore, #tpu.memory_space<semaphore_mem>>) src(%dma_wait3A_25 : memref<2048xf32, #tpu.memory_space<hbm>>) dst(%arg15 : memref<2048xf32, #tpu.memory_space<vmem>>)
      %dma_wait3A_26 = tpu.memref_slice %arg5[%mul3A_3] : memref<20480xf32, #tpu.memory_space<hbm>> -> memref<2048xf32, #tpu.memory_space<hbm>>
      %dma_wait3A_27 = tpu.memref_slice %arg5[%mul3A_3] : memref<20480xf32, #tpu.memory_space<hbm>> -> memref<2048xf32, #tpu.memory_space<hbm>>
      tpu.wait_dma2 semaphore(%arg19 : memref<!tpu.dma_semaphore, #tpu.memory_space<semaphore_mem>>) src(%dma_wait3A_27 : memref<2048xf32, #tpu.memory_space<hbm>>) dst(%arg16 : memref<2048xf32, #tpu.memory_space<vmem>>)
      %dma_wait3A_28 = tpu.memref_slice %arg6[%mul3A_3] : memref<20480xf32, #tpu.memory_space<hbm>> -> memref<2048xf32, #tpu.memory_space<hbm>>
      %dma_wait3A_29 = tpu.memref_slice %arg6[%mul3A_3] : memref<20480xf32, #tpu.memory_space<hbm>> -> memref<2048xf32, #tpu.memory_space<hbm>>
      tpu.wait_dma2 semaphore(%arg19 : memref<!tpu.dma_semaphore, #tpu.memory_space<semaphore_mem>>) src(%dma_wait3A_29 : memref<2048xf32, #tpu.memory_space<hbm>>) dst(%arg17 : memref<2048xf32, #tpu.memory_space<vmem>>)
      %dma_wait3A_30 = tpu.memref_slice %arg7[%mul3A_3] : memref<20480xf32, #tpu.memory_space<hbm>> -> memref<2048xf32, #tpu.memory_space<hbm>>
      %dma_wait3A_31 = tpu.memref_slice %arg7[%mul3A_3] : memref<20480xf32, #tpu.memory_space<hbm>> -> memref<2048xf32, #tpu.memory_space<hbm>>
      tpu.wait_dma2 semaphore(%arg19 : memref<!tpu.dma_semaphore, #tpu.memory_space<semaphore_mem>>) src(%dma_wait3A_31 : memref<2048xf32, #tpu.memory_space<hbm>>) dst(%arg18 : memref<2048xf32, #tpu.memory_space<vmem>>)
    } else {
    }
    return
  }
}

module attributes {stable_mosaic.version = 14 : i64} {
  func.func @_select_body(%arg0: memref<160x128xf32, #tpu.memory_space<vmem>>, %arg1: memref<160x128xi32, #tpu.memory_space<vmem>>) attributes {dimension_semantics = [], scalar_prefetch = 0 : i64, scratch_operands = 0 : i64, tpu.core_type = #tpu.core_type<tc>} {
    %get3A = arith.constant 0 : index
    %get3A_0 = arith.constant 0 : index
    %get3A_1 = vector.load %arg0[%get3A, %get3A_0] : memref<160x128xf32, #tpu.memory_space<vmem>>, vector<160x128xf32>
    %bitcast_convert_type3A = tpu.bitcast %get3A_1 : vector<160x128xf32> -> vector<160x128xi32>
    %iota3A = tpu.iota {dimensions = array<i32: 0>} : vector<160x128xi32>
    %mul3A = arith.constant 128 : i32
    %mul3A_2 = vector.broadcast %mul3A : i32 to vector<160x128xi32>
    %mul3A_3 = arith.muli %iota3A, %mul3A_2 : vector<160x128xi32>
    %iota3A_4 = tpu.iota {dimensions = array<i32: 1>} : vector<160x128xi32>
    %add3A = arith.addi %mul3A_3, %iota3A_4 : vector<160x128xi32>
    %scan3A = arith.constant 0 : i32
    %scan3A_5 = arith.constant 2139095040 : i32
    %scan3A_6 = arith.constant 0 : i32
    %scan3A_7 = arith.constant 31 : i32
    %scan3A_8 = arith.addi %scan3A_6, %scan3A_7 : i32
    %scan3A_9 = arith.constant 1 : i32
    %scan3A_10:2 = scf.for %scan3A_58 = %scan3A_6 to %scan3A_8 step %scan3A_9 iter_args(%scan3A_59 = %scan3A, %scan3A_60 = %scan3A_5) -> (i32, i32)  : i32 {
      %sub3A_61 = arith.subi %scan3A_60, %scan3A_59 : i32
      %jit3A_62 = arith.constant 2 : i32
      %div3A = arith.divsi %sub3A_61, %jit3A_62 : i32
      %sign3A = arith.constant 0 : i32
      %sign3A_63 = arith.cmpi sgt, %sub3A_61, %sign3A : i32
      %sign3A_64 = arith.extui %sign3A_63 : i1 to i32
      %sign3A_65 = arith.constant 0 : i32
      %sign3A_66 = arith.cmpi slt, %sub3A_61, %sign3A_65 : i32
      %sign3A_67 = arith.extui %sign3A_66 : i1 to i32
      %sign3A_68 = arith.subi %sign3A_64, %sign3A_67 : i32
      %sign3A_69 = arith.constant 0 : i32
      %sign3A_70 = arith.cmpi sgt, %jit3A_62, %sign3A_69 : i32
      %sign3A_71 = arith.extui %sign3A_70 : i1 to i32
      %sign3A_72 = arith.constant 0 : i32
      %sign3A_73 = arith.cmpi slt, %jit3A_62, %sign3A_72 : i32
      %sign3A_74 = arith.extui %sign3A_73 : i1 to i32
      %sign3A_75 = arith.subi %sign3A_71, %sign3A_74 : i32
      %ne3A = arith.cmpi ne, %sign3A_68, %sign3A_75 : i32
      %rem3A = arith.remsi %sub3A_61, %jit3A_62 : i32
      %ne3A_76 = arith.constant 0 : i32
      %ne3A_77 = arith.cmpi ne, %rem3A, %ne3A_76 : i32
      %and3A_78 = arith.andi %ne3A, %ne3A_77 : i1
      %sub3A_79 = arith.constant 1 : i32
      %sub3A_80 = arith.subi %div3A, %sub3A_79 : i32
      %select_n3A_81 = arith.select %and3A_78, %sub3A_80, %div3A : i32
      %add3A_82 = arith.addi %scan3A_59, %select_n3A_81 : i32
      %ge3A = vector.broadcast %add3A_82 : i32 to vector<160x128xi32>
      %ge3A_83 = arith.cmpi sge, %bitcast_convert_type3A, %ge3A : vector<160x128xi32>
      %convert_element_type3A_84 = arith.extui %ge3A_83 : vector<160x128xi1> to vector<160x128xi32>
      %reduce_sum3A_85 = vector.shape_cast %convert_element_type3A_84 : vector<160x128xi32> to vector<1x160x128xi32>
      %reduce_sum3A_86 = arith.constant dense<0> : vector<1xi32>
      %reduce_sum3A_87 = vector.multi_reduction <add>, %reduce_sum3A_85, %reduce_sum3A_86 [1, 2] : vector<1x160x128xi32> to vector<1xi32>
      %reduce_sum3A_88 = vector.shape_cast %reduce_sum3A_87 : vector<1xi32> to vector<1x1x1xi32>
      %reduce_sum3A_89 = vector.extract %reduce_sum3A_88[0, 0, 0] : i32 from vector<1x1x1xi32>
      %ge3A_90 = arith.constant 1000 : i32
      %ge3A_91 = arith.cmpi sge, %reduce_sum3A_89, %ge3A_90 : i32
      %select_n3A_92 = arith.select %ge3A_91, %add3A_82, %scan3A_59 : i32
      %select_n3A_93 = arith.select %ge3A_91, %scan3A_60, %add3A_82 : i32
      scf.yield %select_n3A_92, %select_n3A_93 : i32, i32
    }
    %gt3A = vector.broadcast %scan3A_10#0 : i32 to vector<160x128xi32>
    %gt3A_11 = arith.cmpi sgt, %bitcast_convert_type3A, %gt3A : vector<160x128xi32>
    %convert_element_type3A = arith.extui %gt3A_11 : vector<160x128xi1> to vector<160x128xi32>
    %reduce_sum3A = vector.shape_cast %convert_element_type3A : vector<160x128xi32> to vector<1x160x128xi32>
    %reduce_sum3A_12 = arith.constant dense<0> : vector<1xi32>
    %reduce_sum3A_13 = vector.multi_reduction <add>, %reduce_sum3A, %reduce_sum3A_12 [1, 2] : vector<1x160x128xi32> to vector<1xi32>
    %reduce_sum3A_14 = vector.shape_cast %reduce_sum3A_13 : vector<1xi32> to vector<1x1x1xi32>
    %reduce_sum3A_15 = vector.extract %reduce_sum3A_14[0, 0, 0] : i32 from vector<1x1x1xi32>
    %sub3A = arith.constant 1000 : i32
    %sub3A_16 = arith.subi %sub3A, %reduce_sum3A_15 : i32
    %eq3A = vector.broadcast %scan3A_10#0 : i32 to vector<160x128xi32>
    %eq3A_17 = arith.cmpi eq, %bitcast_convert_type3A, %eq3A : vector<160x128xi32>
    %scan3A_18 = arith.constant 0 : i32
    %scan3A_19 = arith.constant 20480 : i32
    %scan3A_20 = arith.constant 0 : i32
    %scan3A_21 = arith.constant 15 : i32
    %scan3A_22 = arith.addi %scan3A_20, %scan3A_21 : i32
    %scan3A_23 = arith.constant 1 : i32
    %scan3A_24:2 = scf.for %scan3A_58 = %scan3A_20 to %scan3A_22 step %scan3A_23 iter_args(%scan3A_59 = %scan3A_18, %scan3A_60 = %scan3A_19) -> (i32, i32)  : i32 {
      %add3A_61 = arith.addi %scan3A_59, %scan3A_60 : i32
      %jit3A_62 = arith.constant 2 : i32
      %div3A = arith.divsi %add3A_61, %jit3A_62 : i32
      %sign3A = arith.constant 0 : i32
      %sign3A_63 = arith.cmpi sgt, %add3A_61, %sign3A : i32
      %sign3A_64 = arith.extui %sign3A_63 : i1 to i32
      %sign3A_65 = arith.constant 0 : i32
      %sign3A_66 = arith.cmpi slt, %add3A_61, %sign3A_65 : i32
      %sign3A_67 = arith.extui %sign3A_66 : i1 to i32
      %sign3A_68 = arith.subi %sign3A_64, %sign3A_67 : i32
      %sign3A_69 = arith.constant 0 : i32
      %sign3A_70 = arith.cmpi sgt, %jit3A_62, %sign3A_69 : i32
      %sign3A_71 = arith.extui %sign3A_70 : i1 to i32
      %sign3A_72 = arith.constant 0 : i32
      %sign3A_73 = arith.cmpi slt, %jit3A_62, %sign3A_72 : i32
      %sign3A_74 = arith.extui %sign3A_73 : i1 to i32
      %sign3A_75 = arith.subi %sign3A_71, %sign3A_74 : i32
      %ne3A = arith.cmpi ne, %sign3A_68, %sign3A_75 : i32
      %rem3A = arith.remsi %add3A_61, %jit3A_62 : i32
      %ne3A_76 = arith.constant 0 : i32
      %ne3A_77 = arith.cmpi ne, %rem3A, %ne3A_76 : i32
      %and3A_78 = arith.andi %ne3A, %ne3A_77 : i1
      %sub3A_79 = arith.constant 1 : i32
      %sub3A_80 = arith.subi %div3A, %sub3A_79 : i32
      %select_n3A_81 = arith.select %and3A_78, %sub3A_80, %div3A : i32
      %lt3A_82 = vector.broadcast %select_n3A_81 : i32 to vector<160x128xi32>
      %lt3A_83 = arith.cmpi slt, %add3A, %lt3A_82 : vector<160x128xi32>
      %and3A_84 = arith.andi %eq3A_17, %lt3A_83 : vector<160x128xi1>
      %convert_element_type3A_85 = arith.extui %and3A_84 : vector<160x128xi1> to vector<160x128xi32>
      %reduce_sum3A_86 = vector.shape_cast %convert_element_type3A_85 : vector<160x128xi32> to vector<1x160x128xi32>
      %reduce_sum3A_87 = arith.constant dense<0> : vector<1xi32>
      %reduce_sum3A_88 = vector.multi_reduction <add>, %reduce_sum3A_86, %reduce_sum3A_87 [1, 2] : vector<1x160x128xi32> to vector<1xi32>
      %reduce_sum3A_89 = vector.shape_cast %reduce_sum3A_88 : vector<1xi32> to vector<1x1x1xi32>
      %reduce_sum3A_90 = vector.extract %reduce_sum3A_89[0, 0, 0] : i32 from vector<1x1x1xi32>
      %ge3A = arith.cmpi sge, %reduce_sum3A_90, %sub3A_16 : i32
      %select_n3A_91 = arith.select %ge3A, %scan3A_59, %select_n3A_81 : i32
      %select_n3A_92 = arith.select %ge3A, %select_n3A_81, %scan3A_60 : i32
      scf.yield %select_n3A_91, %select_n3A_92 : i32, i32
    }
    %gt3A_25 = vector.broadcast %scan3A_10#0 : i32 to vector<160x128xi32>
    %gt3A_26 = arith.cmpi sgt, %bitcast_convert_type3A, %gt3A_25 : vector<160x128xi32>
    %lt3A = vector.broadcast %scan3A_24#1 : i32 to vector<160x128xi32>
    %lt3A_27 = arith.cmpi slt, %add3A, %lt3A : vector<160x128xi32>
    %and3A = arith.andi %eq3A_17, %lt3A_27 : vector<160x128xi1>
    %or3A = arith.ori %gt3A_26, %and3A : vector<160x128xi1>
    %jit3A = arith.constant 1.000000e+00 : f32
    %jit3A_28 = arith.constant 0.000000e+00 : f32
    %broadcast_in_dim3A = vector.broadcast %jit3A : f32 to vector<160x128xf32>
    %broadcast_in_dim3A_29 = vector.broadcast %jit3A_28 : f32 to vector<160x128xf32>
    %select_n3A = arith.select %or3A, %broadcast_in_dim3A, %broadcast_in_dim3A_29 : vector<160x128xi1>, vector<160x128xf32>
    %iota3A_30 = tpu.iota {dimensions = array<i32: 0>} : vector<128x128xi32>
    %iota3A_31 = tpu.iota {dimensions = array<i32: 1>} : vector<128x128xi32>
    %le3A = arith.cmpi sle, %iota3A_30, %iota3A_31 : vector<128x128xi32>
    %jit3A_32 = arith.constant 1.000000e+00 : f32
    %jit3A_33 = arith.constant 0.000000e+00 : f32
    %broadcast_in_dim3A_34 = vector.broadcast %jit3A_32 : f32 to vector<128x128xf32>
    %broadcast_in_dim3A_35 = vector.broadcast %jit3A_33 : f32 to vector<128x128xf32>
    %select_n3A_36 = arith.select %le3A, %broadcast_in_dim3A_34, %broadcast_in_dim3A_35 : vector<128x128xi1>, vector<128x128xf32>
    %dot_general3A = arith.constant dense<0.000000e+00> : vector<160x128xf32>
    %dot_general3A_37 = tpu.matmul %select_n3A, %select_n3A_36, %dot_general3A {dimension_numbers = #tpu.dot_dimension_numbers<[1], [0], [0], [1], [0, 0, 1, 1], [], []>, transpose_lhs_hint = false} : vector<160x128xf32>, vector<128x128xf32>, vector<160x128xf32> -> vector<160x128xf32>
    %slice3A = vector.extract_strided_slice %dot_general3A_37 {offsets = [0, 127], sizes = [160, 1], strides = [1, 1]} : vector<160x128xf32> to vector<160x1xf32>
    %iota3A_38 = tpu.iota {dimensions = array<i32: 0>} : vector<160x160xi32>
    %iota3A_39 = tpu.iota {dimensions = array<i32: 1>} : vector<160x160xi32>
    %lt3A_40 = arith.cmpi slt, %iota3A_39, %iota3A_38 : vector<160x160xi32>
    %jit3A_41 = arith.constant 1.000000e+00 : f32
    %jit3A_42 = arith.constant 0.000000e+00 : f32
    %broadcast_in_dim3A_43 = vector.broadcast %jit3A_41 : f32 to vector<160x160xf32>
    %broadcast_in_dim3A_44 = vector.broadcast %jit3A_42 : f32 to vector<160x160xf32>
    %select_n3A_45 = arith.select %lt3A_40, %broadcast_in_dim3A_43, %broadcast_in_dim3A_44 : vector<160x160xi1>, vector<160x160xf32>
    %dot_general3A_46 = arith.constant dense<0.000000e+00> : vector<160x1xf32>
    %dot_general3A_47 = tpu.matmul %select_n3A_45, %slice3A, %dot_general3A_46 {dimension_numbers = #tpu.dot_dimension_numbers<[1], [0], [0], [1], [0, 0, 1, 1], [], []>, transpose_lhs_hint = false} : vector<160x160xf32>, vector<160x1xf32>, vector<160x1xf32> -> vector<160x1xf32>
    %add3A_48 = vector.broadcast %dot_general3A_47 : vector<160x1xf32> to vector<160x128xf32>
    %add3A_49 = arith.addf %add3A_48, %dot_general3A_37 : vector<160x128xf32>
    %sub3A_50 = arith.subf %add3A_49, %select_n3A : vector<160x128xf32>
    %convert_element_type3A_51 = arith.fptosi %sub3A_50 : vector<160x128xf32> to vector<160x128xi32>
    %add3A_52 = arith.constant 1024 : i32
    %add3A_53 = vector.broadcast %add3A_52 : i32 to vector<160x128xi32>
    %add3A_54 = arith.addi %add3A, %add3A_53 : vector<160x128xi32>
    %select_n3A_55 = arith.select %or3A, %convert_element_type3A_51, %add3A_54 : vector<160x128xi1>, vector<160x128xi32>
    %swap3A = arith.constant 0 : index
    %swap3A_56 = arith.constant 0 : index
    %swap3A_57 = vector.load %arg1[%swap3A, %swap3A_56] : memref<160x128xi32, #tpu.memory_space<vmem>>, vector<160x128xi32>
    tpu.vector_store %arg1[%swap3A, %swap3A_56], %select_n3A_55 {strides = array<i32>} : memref<160x128xi32, #tpu.memory_space<vmem>>, vector<160x128xi32>,
    return
  }
}

module attributes {stable_mosaic.version = 14 : i64} {
  func.func @_nms_body(%arg0: memref<8x128xf32, #tpu.memory_space<vmem>>, %arg1: memref<8x128xf32, #tpu.memory_space<vmem>>, %arg2: memref<8x128xf32, #tpu.memory_space<vmem>>, %arg3: memref<8x128xf32, #tpu.memory_space<vmem>>, %arg4: memref<8x128xf32, #tpu.memory_space<vmem>>, %arg5: memref<128x8xf32, #tpu.memory_space<vmem>>, %arg6: memref<8x128xf32, #tpu.memory_space<vmem>>) attributes {dimension_semantics = [], scalar_prefetch = 0 : i64, scratch_operands = 1 : i64, tpu.core_type = #tpu.core_type<tc>} {
    %get3A = arith.constant 0 : index
    %get3A_0 = arith.constant 0 : index
    %get3A_1 = vector.load %arg0[%get3A, %get3A_0] : memref<8x128xf32, #tpu.memory_space<vmem>>, vector<8x128xf32>
    %get3A_2 = arith.constant 0 : index
    %get3A_3 = arith.constant 0 : index
    %get3A_4 = vector.load %arg1[%get3A_2, %get3A_3] : memref<8x128xf32, #tpu.memory_space<vmem>>, vector<8x128xf32>
    %get3A_5 = arith.constant 0 : index
    %get3A_6 = arith.constant 0 : index
    %get3A_7 = vector.load %arg2[%get3A_5, %get3A_6] : memref<8x128xf32, #tpu.memory_space<vmem>>, vector<8x128xf32>
    %get3A_8 = arith.constant 0 : index
    %get3A_9 = arith.constant 0 : index
    %get3A_10 = vector.load %arg3[%get3A_8, %get3A_9] : memref<8x128xf32, #tpu.memory_space<vmem>>, vector<8x128xf32>
    %sub3A = arith.subf %get3A_7, %get3A_1 : vector<8x128xf32>
    %sub3A_11 = arith.subf %get3A_10, %get3A_4 : vector<8x128xf32>
    %mul3A = arith.mulf %sub3A, %sub3A_11 : vector<8x128xf32>
    %iota3A = tpu.iota {dimensions = array<i32: 0>} : vector<8x128xi32>
    %mul3A_12 = arith.constant 128 : i32
    %mul3A_13 = vector.broadcast %mul3A_12 : i32 to vector<8x128xi32>
    %mul3A_14 = arith.muli %iota3A, %mul3A_13 : vector<8x128xi32>
    %iota3A_15 = tpu.iota {dimensions = array<i32: 1>} : vector<8x128xi32>
    %add3A = arith.addi %mul3A_14, %iota3A_15 : vector<8x128xi32>
    %lt3A = arith.constant 1000 : i32
    %lt3A_16 = vector.broadcast %lt3A : i32 to vector<8x128xi32>
    %lt3A_17 = arith.cmpi slt, %add3A, %lt3A_16 : vector<8x128xi32>
    %get3A_18 = arith.constant 0 : index
    %get3A_19 = arith.constant 0 : index
    %get3A_20 = vector.load %arg4[%get3A_18, %get3A_19] : memref<8x128xf32, #tpu.memory_space<vmem>>, vector<8x128xf32>
    %jit3A = arith.constant 0xFF800000 : f32
    %broadcast_in_dim3A = vector.broadcast %jit3A : f32 to vector<8x128xf32>
    %select_n3A = arith.select %lt3A_17, %get3A_20, %broadcast_in_dim3A : vector<8x128xi1>, vector<8x128xf32>
    %swap3A = arith.constant 0 : index
    %swap3A_21 = arith.constant 0 : index
    %swap3A_22 = vector.load %arg6[%swap3A, %swap3A_21] : memref<8x128xf32, #tpu.memory_space<vmem>>, vector<8x128xf32>
    tpu.vector_store %arg6[%swap3A, %swap3A_21], %select_n3A {strides = array<i32>} : memref<8x128xf32, #tpu.memory_space<vmem>>, vector<8x128xf32>,
    %broadcast_in_dim3A_23 = arith.constant 0.000000e+00 : f32
    %broadcast_in_dim3A_24 = vector.broadcast %broadcast_in_dim3A_23 : f32 to vector<128x8xf32>
    %scan3A = arith.constant 0 : i32
    %scan3A_25 = arith.constant 100 : i32
    %scan3A_26 = arith.addi %scan3A, %scan3A_25 : i32
    %scan3A_27 = arith.constant 1 : i32
    %scan3A_28 = scf.for %scan3A_33 = %scan3A to %scan3A_26 step %scan3A_27 iter_args(%scan3A_34 = %broadcast_in_dim3A_24) -> (vector<128x8xf32>)  : i32 {
      %get3A_35 = arith.constant 0 : index
      %get3A_36 = arith.constant 0 : index
      %get3A_37 = vector.load %arg6[%get3A_35, %get3A_36] : memref<8x128xf32, #tpu.memory_space<vmem>>, vector<8x128xf32>
      %reduce_max3A = vector.shape_cast %get3A_37 : vector<8x128xf32> to vector<1x8x128xf32>
      %reduce_max3A_38 = arith.constant dense<0xFF800000> : vector<1xf32>
      %reduce_max3A_39 = vector.multi_reduction <maximumf>, %reduce_max3A, %reduce_max3A_38 [1, 2] : vector<1x8x128xf32> to vector<1xf32>
      %reduce_max3A_40 = vector.shape_cast %reduce_max3A_39 : vector<1xf32> to vector<1x1x1xf32>
      %reduce_max3A_41 = vector.extract %reduce_max3A_40[0, 0, 0] : f32 from vector<1x1x1xf32>
      %gt3A = arith.constant 0xFF800000 : f32
      %gt3A_42 = arith.cmpf ogt, %reduce_max3A_41, %gt3A : f32
      %eq3A = vector.broadcast %reduce_max3A_41 : f32 to vector<8x128xf32>
      %eq3A_43 = arith.cmpf oeq, %get3A_37, %eq3A : vector<8x128xf32>
      %jit3A_44 = arith.constant 2147483647 : i32
      %broadcast_in_dim3A_45 = vector.broadcast %jit3A_44 : i32 to vector<8x128xi32>
      %select_n3A_46 = arith.select %eq3A_43, %add3A, %broadcast_in_dim3A_45 : vector<8x128xi1>, vector<8x128xi32>
      %reduce_min3A = vector.shape_cast %select_n3A_46 : vector<8x128xi32> to vector<1x8x128xi32>
      %reduce_min3A_47 = arith.constant dense<2147483647> : vector<1xi32>
      %reduce_min3A_48 = vector.multi_reduction <minsi>, %reduce_min3A, %reduce_min3A_47 [1, 2] : vector<1x8x128xi32> to vector<1xi32>
      %reduce_min3A_49 = vector.shape_cast %reduce_min3A_48 : vector<1xi32> to vector<1x1x1xi32>
      %reduce_min3A_50 = vector.extract %reduce_min3A_49[0, 0, 0] : i32 from vector<1x1x1xi32>
      %jit3A_51 = arith.constant 128 : i32
      %div3A = arith.divsi %reduce_min3A_50, %jit3A_51 : i32
      %sign3A = arith.constant 0 : i32
      %sign3A_52 = arith.cmpi sgt, %reduce_min3A_50, %sign3A : i32
      %sign3A_53 = arith.extui %sign3A_52 : i1 to i32
      %sign3A_54 = arith.constant 0 : i32
      %sign3A_55 = arith.cmpi slt, %reduce_min3A_50, %sign3A_54 : i32
      %sign3A_56 = arith.extui %sign3A_55 : i1 to i32
      %sign3A_57 = arith.subi %sign3A_53, %sign3A_56 : i32
      %sign3A_58 = arith.constant 0 : i32
      %sign3A_59 = arith.cmpi sgt, %jit3A_51, %sign3A_58 : i32
      %sign3A_60 = arith.extui %sign3A_59 : i1 to i32
      %sign3A_61 = arith.constant 0 : i32
      %sign3A_62 = arith.cmpi slt, %jit3A_51, %sign3A_61 : i32
      %sign3A_63 = arith.extui %sign3A_62 : i1 to i32
      %sign3A_64 = arith.subi %sign3A_60, %sign3A_63 : i32
      %ne3A = arith.cmpi ne, %sign3A_57, %sign3A_64 : i32
      %rem3A = arith.remsi %reduce_min3A_50, %jit3A_51 : i32
      %ne3A_65 = arith.constant 0 : i32
      %ne3A_66 = arith.cmpi ne, %rem3A, %ne3A_65 : i32
      %and3A = arith.andi %ne3A, %ne3A_66 : i1
      %sub3A_67 = arith.constant 1 : i32
      %sub3A_68 = arith.subi %div3A, %sub3A_67 : i32
      %select_n3A_69 = arith.select %and3A, %sub3A_68, %div3A : i32
      %jit3A_70 = arith.constant 128 : i32
      %eq3A_71 = arith.constant 0 : i32
      %eq3A_72 = arith.cmpi eq, %jit3A_70, %eq3A_71 : i32
      %jit3A_73 = arith.constant 1 : i32
      %select_n3A_74 = arith.select %eq3A_72, %jit3A_73, %jit3A_70 : i32
      %rem3A_75 = arith.remsi %reduce_min3A_50, %select_n3A_74 : i32
      %ne3A_76 = arith.constant 0 : i32
      %ne3A_77 = arith.cmpi ne, %rem3A_75, %ne3A_76 : i32
      %lt3A_78 = arith.constant 0 : i32
      %lt3A_79 = arith.cmpi slt, %rem3A_75, %lt3A_78 : i32
      %lt3A_80 = arith.constant 0 : i32
      %lt3A_81 = arith.cmpi slt, %select_n3A_74, %lt3A_80 : i32
      %ne3A_82 = arith.xori %lt3A_79, %lt3A_81 : i1
      %and3A_83 = arith.andi %ne3A_82, %ne3A_77 : i1
      %add3A_84 = arith.addi %rem3A_75, %select_n3A_74 : i32
      %select_n3A_85 = arith.select %and3A_83, %add3A_84, %rem3A_75 : i32
      %iota3A_86 = tpu.iota {dimensions = array<i32: 1>} : vector<1x128xi32>
      %eq3A_87 = vector.broadcast %select_n3A_85 : i32 to vector<1x128xi32>
      %eq3A_88 = arith.cmpi eq, %iota3A_86, %eq3A_87 : vector<1x128xi32>
      %get3A_89 = arith.index_cast %select_n3A_69 : i32 to index
      %get3A_90 = arith.constant 0 : index
      %get3A_91 = vector.load %arg0[%get3A_89, %get3A_90] : memref<8x128xf32, #tpu.memory_space<vmem>>, vector<1x128xf32>
      %jit3A_92 = arith.constant 0.000000e+00 : f32
      %broadcast_in_dim3A_93 = vector.broadcast %jit3A_92 : f32 to vector<1x128xf32>
      %select_n3A_94 = arith.select %eq3A_88, %get3A_91, %broadcast_in_dim3A_93 : vector<1x128xi1>, vector<1x128xf32>
      %reduce_sum3A = vector.shape_cast %select_n3A_94 : vector<1x128xf32> to vector<1x1x128xf32>
      %reduce_sum3A_95 = arith.constant dense<0.000000e+00> : vector<1xf32>
      %reduce_sum3A_96 = vector.multi_reduction <add>, %reduce_sum3A, %reduce_sum3A_95 [1, 2] : vector<1x1x128xf32> to vector<1xf32>
      %reduce_sum3A_97 = vector.shape_cast %reduce_sum3A_96 : vector<1xf32> to vector<1x1x1xf32>
      %reduce_sum3A_98 = vector.extract %reduce_sum3A_97[0, 0, 0] : f32 from vector<1x1x1xf32>
      %get3A_99 = arith.index_cast %select_n3A_69 : i32 to index
      %get3A_100 = arith.constant 0 : index
      %get3A_101 = vector.load %arg1[%get3A_99, %get3A_100] : memref<8x128xf32, #tpu.memory_space<vmem>>, vector<1x128xf32>
      %jit3A_102 = arith.constant 0.000000e+00 : f32
      %broadcast_in_dim3A_103 = vector.broadcast %jit3A_102 : f32 to vector<1x128xf32>
      %select_n3A_104 = arith.select %eq3A_88, %get3A_101, %broadcast_in_dim3A_103 : vector<1x128xi1>, vector<1x128xf32>
      %reduce_sum3A_105 = vector.shape_cast %select_n3A_104 : vector<1x128xf32> to vector<1x1x128xf32>
      %reduce_sum3A_106 = arith.constant dense<0.000000e+00> : vector<1xf32>
      %reduce_sum3A_107 = vector.multi_reduction <add>, %reduce_sum3A_105, %reduce_sum3A_106 [1, 2] : vector<1x1x128xf32> to vector<1xf32>
      %reduce_sum3A_108 = vector.shape_cast %reduce_sum3A_107 : vector<1xf32> to vector<1x1x1xf32>
      %reduce_sum3A_109 = vector.extract %reduce_sum3A_108[0, 0, 0] : f32 from vector<1x1x1xf32>
      %get3A_110 = arith.index_cast %select_n3A_69 : i32 to index
      %get3A_111 = arith.constant 0 : index
      %get3A_112 = vector.load %arg2[%get3A_110, %get3A_111] : memref<8x128xf32, #tpu.memory_space<vmem>>, vector<1x128xf32>
      %jit3A_113 = arith.constant 0.000000e+00 : f32
      %broadcast_in_dim3A_114 = vector.broadcast %jit3A_113 : f32 to vector<1x128xf32>
      %select_n3A_115 = arith.select %eq3A_88, %get3A_112, %broadcast_in_dim3A_114 : vector<1x128xi1>, vector<1x128xf32>
      %reduce_sum3A_116 = vector.shape_cast %select_n3A_115 : vector<1x128xf32> to vector<1x1x128xf32>
      %reduce_sum3A_117 = arith.constant dense<0.000000e+00> : vector<1xf32>
      %reduce_sum3A_118 = vector.multi_reduction <add>, %reduce_sum3A_116, %reduce_sum3A_117 [1, 2] : vector<1x1x128xf32> to vector<1xf32>
      %reduce_sum3A_119 = vector.shape_cast %reduce_sum3A_118 : vector<1xf32> to vector<1x1x1xf32>
      %reduce_sum3A_120 = vector.extract %reduce_sum3A_119[0, 0, 0] : f32 from vector<1x1x1xf32>
      %get3A_121 = arith.index_cast %select_n3A_69 : i32 to index
      %get3A_122 = arith.constant 0 : index
      %get3A_123 = vector.load %arg3[%get3A_121, %get3A_122] : memref<8x128xf32, #tpu.memory_space<vmem>>, vector<1x128xf32>
      %jit3A_124 = arith.constant 0.000000e+00 : f32
      %broadcast_in_dim3A_125 = vector.broadcast %jit3A_124 : f32 to vector<1x128xf32>
      %select_n3A_126 = arith.select %eq3A_88, %get3A_123, %broadcast_in_dim3A_125 : vector<1x128xi1>, vector<1x128xf32>
      %reduce_sum3A_127 = vector.shape_cast %select_n3A_126 : vector<1x128xf32> to vector<1x1x128xf32>
      %reduce_sum3A_128 = arith.constant dense<0.000000e+00> : vector<1xf32>
      %reduce_sum3A_129 = vector.multi_reduction <add>, %reduce_sum3A_127, %reduce_sum3A_128 [1, 2] : vector<1x1x128xf32> to vector<1xf32>
      %reduce_sum3A_130 = vector.shape_cast %reduce_sum3A_129 : vector<1xf32> to vector<1x1x1xf32>
      %reduce_sum3A_131 = vector.extract %reduce_sum3A_130[0, 0, 0] : f32 from vector<1x1x1xf32>
      %max3A = vector.broadcast %reduce_sum3A_98 : f32 to vector<8x128xf32>
      %max3A_132 = arith.maximumf %max3A, %get3A_1 : vector<8x128xf32>
      %max3A_133 = vector.broadcast %reduce_sum3A_109 : f32 to vector<8x128xf32>
      %max3A_134 = arith.maximumf %max3A_133, %get3A_4 : vector<8x128xf32>
      %min3A = vector.broadcast %reduce_sum3A_120 : f32 to vector<8x128xf32>
      %min3A_135 = arith.minimumf %min3A, %get3A_7 : vector<8x128xf32>
      %min3A_136 = vector.broadcast %reduce_sum3A_131 : f32 to vector<8x128xf32>
      %min3A_137 = arith.minimumf %min3A_136, %get3A_10 : vector<8x128xf32>
      %sub3A_138 = arith.subf %min3A_135, %max3A_132 : vector<8x128xf32>
      %max3A_139 = arith.constant 0.000000e+00 : f32
      %max3A_140 = vector.broadcast %max3A_139 : f32 to vector<8x128xf32>
      %max3A_141 = arith.maximumf %sub3A_138, %max3A_140 : vector<8x128xf32>
      %sub3A_142 = arith.subf %min3A_137, %max3A_134 : vector<8x128xf32>
      %max3A_143 = arith.constant 0.000000e+00 : f32
      %max3A_144 = vector.broadcast %max3A_143 : f32 to vector<8x128xf32>
      %max3A_145 = arith.maximumf %sub3A_142, %max3A_144 : vector<8x128xf32>
      %mul3A_146 = arith.mulf %max3A_141, %max3A_145 : vector<8x128xf32>
      %sub3A_147 = arith.subf %reduce_sum3A_120, %reduce_sum3A_98 : f32
      %sub3A_148 = arith.subf %reduce_sum3A_131, %reduce_sum3A_109 : f32
      %mul3A_149 = arith.mulf %sub3A_147, %sub3A_148 : f32
      %add3A_150 = vector.broadcast %mul3A_149 : f32 to vector<8x128xf32>
      %add3A_151 = arith.addf %add3A_150, %mul3A : vector<8x128xf32>
      %sub3A_152 = arith.subf %add3A_151, %mul3A_146 : vector<8x128xf32>
      %max3A_153 = arith.constant 9.99999971E-10 : f32
      %max3A_154 = vector.broadcast %max3A_153 : f32 to vector<8x128xf32>
      %max3A_155 = arith.maximumf %sub3A_152, %max3A_154 : vector<8x128xf32>
      %div3A_156 = arith.divf %mul3A_146, %max3A_155 : vector<8x128xf32>
      %ge3A = arith.constant 5.000000e-01 : f32
      %ge3A_157 = vector.broadcast %ge3A : f32 to vector<8x128xf32>
      %ge3A_158 = arith.cmpf oge, %div3A_156, %ge3A_157 : vector<8x128xf32>
      %jit3A_159 = arith.constant 0xFF800000 : f32
      %broadcast_in_dim3A_160 = vector.broadcast %jit3A_159 : f32 to vector<8x128xf32>
      %select_n3A_161 = arith.select %ge3A_158, %broadcast_in_dim3A_160, %get3A_37 : vector<8x128xi1>, vector<8x128xf32>
      %swap3A_162 = arith.constant 0 : index
      %swap3A_163 = arith.constant 0 : index
      %swap3A_164 = vector.load %arg6[%swap3A_162, %swap3A_163] : memref<8x128xf32, #tpu.memory_space<vmem>>, vector<8x128xf32>
      tpu.vector_store %arg6[%swap3A_162, %swap3A_163], %select_n3A_161 {strides = array<i32>} : memref<8x128xf32, #tpu.memory_space<vmem>>, vector<8x128xf32>,
      %get3A_165 = arith.index_cast %select_n3A_69 : i32 to index
      %get3A_166 = arith.constant 0 : index
      %get3A_167 = vector.load %arg6[%get3A_165, %get3A_166] : memref<8x128xf32, #tpu.memory_space<vmem>>, vector<1x128xf32>
      %jit3A_168 = arith.constant 0xFF800000 : f32
      %broadcast_in_dim3A_169 = vector.broadcast %jit3A_168 : f32 to vector<1x128xf32>
      %select_n3A_170 = arith.select %eq3A_88, %broadcast_in_dim3A_169, %get3A_167 : vector<1x128xi1>, vector<1x128xf32>
      %swap3A_171 = arith.index_cast %select_n3A_69 : i32 to index
      %swap3A_172 = arith.constant 0 : index
      %swap3A_173 = vector.load %arg6[%swap3A_171, %swap3A_172] : memref<8x128xf32, #tpu.memory_space<vmem>>, vector<1x128xf32>
      tpu.vector_store %arg6[%swap3A_171, %swap3A_172], %select_n3A_170 {strides = array<i32>} : memref<8x128xf32, #tpu.memory_space<vmem>>, vector<1x128xf32>,
      %iota3A_174 = tpu.iota {dimensions = array<i32: 0>} : vector<128x8xi32>
      %iota3A_175 = tpu.iota {dimensions = array<i32: 1>} : vector<128x8xi32>
      %eq3A_176 = arith.constant 0 : i32
      %eq3A_177 = vector.broadcast %eq3A_176 : i32 to vector<128x8xi32>
      %eq3A_178 = arith.cmpi eq, %iota3A_175, %eq3A_177 : vector<128x8xi32>
      %jit3A_179 = arith.constant 0.000000e+00 : f32
      %select_n3A_180 = arith.select %gt3A_42, %reduce_sum3A_98, %jit3A_179 : f32
      %jit3A_181 = arith.constant 0.000000e+00 : f32
      %broadcast_in_dim3A_182 = vector.broadcast %select_n3A_180 : f32 to vector<128x8xf32>
      %broadcast_in_dim3A_183 = vector.broadcast %jit3A_181 : f32 to vector<128x8xf32>
      %select_n3A_184 = arith.select %eq3A_178, %broadcast_in_dim3A_182, %broadcast_in_dim3A_183 : vector<128x8xi1>, vector<128x8xf32>
      %eq3A_185 = arith.constant 1 : i32
      %eq3A_186 = vector.broadcast %eq3A_185 : i32 to vector<128x8xi32>
      %eq3A_187 = arith.cmpi eq, %iota3A_175, %eq3A_186 : vector<128x8xi32>
      %jit3A_188 = arith.constant 0.000000e+00 : f32
      %select_n3A_189 = arith.select %gt3A_42, %reduce_sum3A_109, %jit3A_188 : f32
      %jit3A_190 = arith.constant 0.000000e+00 : f32
      %broadcast_in_dim3A_191 = vector.broadcast %select_n3A_189 : f32 to vector<128x8xf32>
      %broadcast_in_dim3A_192 = vector.broadcast %jit3A_190 : f32 to vector<128x8xf32>
      %select_n3A_193 = arith.select %eq3A_187, %broadcast_in_dim3A_191, %broadcast_in_dim3A_192 : vector<128x8xi1>, vector<128x8xf32>
      %add3A_194 = arith.addf %select_n3A_184, %select_n3A_193 : vector<128x8xf32>
      %eq3A_195 = arith.constant 2 : i32
      %eq3A_196 = vector.broadcast %eq3A_195 : i32 to vector<128x8xi32>
      %eq3A_197 = arith.cmpi eq, %iota3A_175, %eq3A_196 : vector<128x8xi32>
      %jit3A_198 = arith.constant 0.000000e+00 : f32
      %select_n3A_199 = arith.select %gt3A_42, %reduce_sum3A_120, %jit3A_198 : f32
      %jit3A_200 = arith.constant 0.000000e+00 : f32
      %broadcast_in_dim3A_201 = vector.broadcast %select_n3A_199 : f32 to vector<128x8xf32>
      %broadcast_in_dim3A_202 = vector.broadcast %jit3A_200 : f32 to vector<128x8xf32>
      %select_n3A_203 = arith.select %eq3A_197, %broadcast_in_dim3A_201, %broadcast_in_dim3A_202 : vector<128x8xi1>, vector<128x8xf32>
      %add3A_204 = arith.addf %add3A_194, %select_n3A_203 : vector<128x8xf32>
      %eq3A_205 = arith.constant 3 : i32
      %eq3A_206 = vector.broadcast %eq3A_205 : i32 to vector<128x8xi32>
      %eq3A_207 = arith.cmpi eq, %iota3A_175, %eq3A_206 : vector<128x8xi32>
      %jit3A_208 = arith.constant 0.000000e+00 : f32
      %select_n3A_209 = arith.select %gt3A_42, %reduce_sum3A_131, %jit3A_208 : f32
      %jit3A_210 = arith.constant 0.000000e+00 : f32
      %broadcast_in_dim3A_211 = vector.broadcast %select_n3A_209 : f32 to vector<128x8xf32>
      %broadcast_in_dim3A_212 = vector.broadcast %jit3A_210 : f32 to vector<128x8xf32>
      %select_n3A_213 = arith.select %eq3A_207, %broadcast_in_dim3A_211, %broadcast_in_dim3A_212 : vector<128x8xi1>, vector<128x8xf32>
      %add3A_214 = arith.addf %add3A_204, %select_n3A_213 : vector<128x8xf32>
      %eq3A_215 = arith.constant 4 : i32
      %eq3A_216 = vector.broadcast %eq3A_215 : i32 to vector<128x8xi32>
      %eq3A_217 = arith.cmpi eq, %iota3A_175, %eq3A_216 : vector<128x8xi32>
      %jit3A_218 = arith.constant 0.000000e+00 : f32
      %select_n3A_219 = arith.select %gt3A_42, %reduce_max3A_41, %jit3A_218 : f32
      %jit3A_220 = arith.constant 0.000000e+00 : f32
      %broadcast_in_dim3A_221 = vector.broadcast %select_n3A_219 : f32 to vector<128x8xf32>
      %broadcast_in_dim3A_222 = vector.broadcast %jit3A_220 : f32 to vector<128x8xf32>
      %select_n3A_223 = arith.select %eq3A_217, %broadcast_in_dim3A_221, %broadcast_in_dim3A_222 : vector<128x8xi1>, vector<128x8xf32>
      %add3A_224 = arith.addf %add3A_214, %select_n3A_223 : vector<128x8xf32>
      %eq3A_225 = vector.broadcast %scan3A_33 : i32 to vector<128x8xi32>
      %eq3A_226 = arith.cmpi eq, %iota3A_174, %eq3A_225 : vector<128x8xi32>
      %select_n3A_227 = arith.select %eq3A_226, %add3A_224, %scan3A_34 : vector<128x8xi1>, vector<128x8xf32>
      scf.yield %select_n3A_227 : vector<128x8xf32>
    }
    %scan3A_29 = arith.constant 100 : i32
    %swap3A_30 = arith.constant 0 : index
    %swap3A_31 = arith.constant 0 : index
    %swap3A_32 = vector.load %arg5[%swap3A_30, %swap3A_31] : memref<128x8xf32, #tpu.memory_space<vmem>>, vector<128x8xf32>
    tpu.vector_store %arg5[%swap3A_30, %swap3A_31], %scan3A_28 {strides = array<i32>} : memref<128x8xf32, #tpu.memory_space<vmem>>, vector<128x8xf32>,
    return
  }
}

</mosaic_0001>

<sc_bundles>
// kernel: kernel.5.cloned.1.call-start
scs
__scs_entry_jumppad:
0x0: {  	(pc) =	sbr.rel $0x88, $3  }
0x1: {  	(tag) =	ssettag $0x0;
	lr =	simm.s32 $0x1  }
0x2: {  	[smem:$0x3F9F] =	sst lr;
	_ =	strace $0xD0000000  }
0x3: {  	_ = 	snop  }
0x4: {  	_ = 	snop  }
0x5: {  	_ = 	snop  }
0x6: {  	_ = 	snop  }
0x7: {  	_ = 	snop  }
__scs_overlays_trampoline_lowered:
0x8: {  	[smem:$0x3FAE] =	sst s0  }
0x9: {  	[smem:$0x3FAF] =	sst s1  }
0xa: {  	[smem:$0x3FB0] =	sst s2  }
0xb: {  	[smem:$0x3FB1] =	sst s3  }
0xc: {  	[smem:$0x3FB2] =	sst s4  }
0xd: {  	[smem:$0x3FB3] =	sst s5  }
0xe: {  	[smem:$0x3FB4] =	sst s6  }
0xf: {  	[smem:$0x3FB5] =	sst s7  }
0x10: {  	[smem:$0x3FB6] =	sst s8  }
0x11: {  	[smem:$0x3FB7] =	sst s9;
	s0 =	simm.s32 @!p0 $0x0  }
0x12: {  	s1 =	sld [smem:$0x3F9D];
	s0 =	simm.s32 @p0 $0x1  }
0x13: {  	[smem:$0x3FB8] =	sst s0;
	s0 =	simm.s32 @!p1 $0x0  }
0x14: {  	s2 =	sld [smem:$0x3F9C];
	s0 =	simm.s32 @p1 $0x1  }
0x15: {  	[smem:$0x3FB9] =	sst s0;
	s0 =	simm.s32 @!p2 $0x0  }
0x16: {  	s3 =	sld [smem:$0x3FDB];
	s0 =	simm.s32 @p2 $0x1  }
0x17: {  	s4 =	simm.s32 $0x1BF5;
	[smem:$0x3FBB] =	sst s0  }
0x18: {  	s0 =	sld [smem:$0x3F9E];
	_ =	swait.ge [sflag:s4], $0x0  }
0x19: {  	s7 =	sld [smem:$0x3F9F]  }
0x1a: {  	s8 =	sadd.s32 $0xFFFFE003, lr  }
0x1b: {  	s9 =	sadd.s32 $0xFFFFFEF7, lr;
	s5 =	simm.s32 $0xFFFFFFFF;
	p2 =	slt.u32 s8, $0xFFFFF086  }
0x1c: {  	p1 =	slt.u32 s9, $0xF7A;
	s5 =	simm.s32 @!p2 $0x0  }
0x1d: {  	s5 =	simm.s32 @p1 $0x1;
	p0 =	seq.s32 s7, s2  }
0x1e: {  	s7 =	smul.u32 @!p0 $0xF7A, s2;
	p2 =	seq.s32 @!p0 s5, $0x0  }
0x1f: {  	s9 =	smul.u32 $0xF7A, s1;
	s8 =	simm.s32 @!p0 $0x1BF5;
	p2 =	por !p2, p0  }
0x20: {  	[sflag:s8] =	ssyncset.s32 @!p0 $0xFFFFF086;
	s6 =	sadd.s32 @!p0 s3, s7;
	s7 =	simm.s32 @!p0 $0x108  }
0x21: {  	s3 =	sadd.s32 s3, s9;
	s6 =	sadd.s32 @!p0 $0x88, s6;
	s7 =	simm.s32 @p2 $0x1082  }
0x22: {  	[simem:s7], [sflag:s8] =	dma.local @!p0 [hbm:s6], $0xF7A  }
0x23: {  	s9 =	sor.u32 $0xD0000000, s2;
	s6 =	simm.s32 $0x108;
	_ =	swait.ge @!p0 [sflag:s8], $0x0  }
0x24: {  	s3 =	sadd.s32 $0x88, s3;
	s6 =	simm.s32 @!p1 $0x1082;
	[sflag:s4] =	ssyncset.s32 $0xFFFFF086  }
0x25: {  	[simem:s6], [sflag:s4] =	dma.local [hbm:s3], $0xF7A  }
0x26: {  	[smem:$0x3F9F] =	sst s1;
	(tag) =	ssettag s2;
	_ =	strace s9  }
0x27: {  	s1 =	sld [smem:$0x3FAF]  }
0x28: {  	s2 =	sld [smem:$0x3FB0]  }
0x29: {  	s4 =	sld [smem:$0x3FB2]  }
0x2a: {  	p0 =	seq.s32 s5, $0x0;
	s5 =	sld [smem:$0x3FB3]  }
0x2b: {  	s6 =	sld [smem:$0x3FB4]  }
0x2c: {  	s7 =	sld [smem:$0x3FB5]  }
0x2d: {  	s3 =	simm.s32 $0x108;
	s8 =	sld [smem:$0x3FB6]  }
0x2e: {  	s3 =	simm.s32 @!p0 $0x1082;
	s9 =	sld [smem:$0x3FB7]  }
0x2f: {  	lr =	sadd.s32 s0, s3;
	s0 =	sld [smem:$0x3FAE]  }
0x30: {  	s3 =	sld [smem:$0x3FB1]  }
0x31: {  	[smem:$0x3FBA] =	sst s10  }
0x32: {  	s10 =	sld [smem:$0x3FB8];
	_ =	sdelay $0x3  }
0x33: {  	p0 =	seq.s32 s10, $0x1;
	s10 =	sld [smem:$0x3FBA];
	_ =	sdelay $0x3  }
0x34: {  	[smem:$0x3FBA] =	sst s10  }
0x35: {  	s10 =	sld [smem:$0x3FB9];
	_ =	sdelay $0x3  }
0x36: {  	p1 =	seq.s32 s10, $0x1;
	s10 =	sld [smem:$0x3FBA];
	_ =	sdelay $0x3  }
0x37: {  	[smem:$0x3FBA] =	sst s10  }
0x38: {  	s10 =	sld [smem:$0x3FBB]  }
0x39: {  	_ = 	snop;
	(pc) =	sbr.ind lr, $3  }
0x3a: {  	_ = 	snop  }
0x3b: {  	_ = 	snop  }
0x3c: {  	p2 =	seq.s32 s10, $0x1;
	s10 =	sld [smem:$0x3FBA]  }
0x3d: {  	_ =	shalt  }
0x3e: {  	_ =	shalt  }
0x3f: {  	_ =	shalt  }
0x40: {  	_ =	shalt  }
0x41: {  	_ =	shalt  }
0x42: {  	_ =	shalt  }
0x43: {  	_ =	shalt  }
0x44: {  	_ =	shalt  }
0x45: {  	_ =	shalt  }
0x46: {  	_ =	shalt  }
0x47: {  	_ =	shalt  }
0x48: {  	_ =	shalt  }
0x49: {  	_ =	shalt  }
0x4a: {  	_ =	shalt  }
0x4b: {  	_ =	shalt  }
0x4c: {  	_ =	shalt  }
0x4d: {  	_ =	shalt  }
0x4e: {  	_ =	shalt  }
0x4f: {  	_ =	shalt  }
0x50: {  	_ =	shalt  }
0x51: {  	_ =	shalt  }
0x52: {  	_ =	shalt  }
0x53: {  	_ =	shalt  }
0x54: {  	_ =	shalt  }
0x55: {  	_ =	shalt  }
0x56: {  	_ =	shalt  }
0x57: {  	_ =	shalt  }
0x58: {  	_ =	shalt  }
0x59: {  	_ =	shalt  }
0x5a: {  	_ =	shalt  }
0x5b: {  	_ =	shalt  }
0x5c: {  	_ =	shalt  }
0x5d: {  	_ =	shalt  }
0x5e: {  	_ =	shalt  }
0x5f: {  	_ =	shalt  }
0x60: {  	_ =	shalt  }
0x61: {  	_ =	shalt  }
0x62: {  	_ =	shalt  }
0x63: {  	_ =	shalt  }
0x64: {  	_ =	shalt  }
0x65: {  	_ =	shalt  }
0x66: {  	_ =	shalt  }
0x67: {  	_ =	shalt  }
0x68: {  	_ =	shalt  }
0x69: {  	_ =	shalt  }
0x6a: {  	_ =	shalt  }
0x6b: {  	_ =	shalt  }
0x6c: {  	_ =	shalt  }
0x6d: {  	_ =	shalt  }
0x6e: {  	_ =	shalt  }
0x6f: {  	_ =	shalt  }
0x70: {  	_ =	shalt  }
0x71: {  	_ =	shalt  }
0x72: {  	_ =	shalt  }
0x73: {  	_ =	shalt  }
0x74: {  	_ =	shalt  }
0x75: {  	_ =	shalt  }
0x76: {  	_ =	shalt  }
0x77: {  	_ =	shalt  }
0x78: {  	_ =	shalt  }
0x79: {  	_ =	shalt  }
0x7a: {  	_ =	shalt  }
0x7b: {  	_ =	shalt  }
0x7c: {  	_ =	shalt  }
0x7d: {  	_ =	shalt  }
0x7e: {  	_ =	shalt  }
0x7f: {  	_ =	shalt  }
0x80: {  	_ =	shalt  }
0x81: {  	_ =	shalt  }
0x82: {  	_ =	shalt  }
0x83: {  	_ =	shalt  }
0x84: {  	_ =	shalt  }
0x85: {  	_ =	shalt  }
0x86: {  	_ =	shalt  }
0x87: {  	_ =	shalt  }
.Lfunc_end0:
.L_simem_size_0:
called_computation_lowered:
.L_overlay_start_0:
0x88: {  	s2 =	sld [smem:$0x3FD9]  }
0x89: {  	s3 =	sld [smem:$0x3FFE];
	_ =	sdelay $0x1  }
0x8a: {  	s1 =	srdreg.scid  }
0x8b: {  	s0 =	sand.u32 $0x1, s1  }
0x8c: {  	s16 =	sshll.u32 s0, $0xA;
	s2 =	sadd.s32 s3, s2  }
0x8d: {  	s2 =	sadd.s32 s2, s16  }
0x8e: {  	[smem:$0x3FC6] =	sst s2  }
0x8f: {  	_ = 	snop  }
0x90: {  	(tm) =	ssettm $0x1  }
0x91: {  	s17 =	sld [smem:$0x3FFB];
	_ =	sdelay $0x3  }
0x92: {  	_ =	strace s17  }
0x93: {  	s2 =	sld [smem:$0x3FFC];
	_ =	sdelay $0x3  }
0x94: {  	_ =	strace s2  }
0x95: {  	s2 =	sld [smem:$0x3FFD];
	_ =	sdelay $0x3  }
0x96: {  	_ =	strace s2  }
0x97: {  	_ =	strace $0x8FFFFFFF  }
0x98: {  	s18 =	sld [smem:$0x3FDB];
	_ =	sdelay $0x1  }
0x99: {  	s19 =	simm.s32 $_scs_section_size  }
0x9a: {  	s4 =	simm.s32 $_size__tile_overlayer_lowered;
	s5 =	simm.s32 $_tile_overlayer_lowered  }
0x9b: {  	s22 =	simm.s32 $0x1BFF;
	s21 =	sshll.u32 s5, $0x1;
	s2 =	sadd.s32 s19, s18  }
0x9c: {  	s6 =	simm.s32 $0x0;
	s20 =	sshll.u32 s4, $0x1;
	s4 =	sadd.s32 s21, s2  }
0x9d: {  	[timem:s6], [sflag:s22] =	dma.local [hbm:s4], s20  }
0x9e: {  	_ =	swait.ge [sflag:s22], s20  }
0x9f: {  	s3 =	ssub.s32 $0x0, s20;
	[sflag:s22] =	ssyncset.done $0x0  }
0xa0: {  	[sflag:s22] =	ssyncadd.s32 s3;
	_ =	sdelay $0x1  }
0xa1: {  	s23 =	simm.s32 $0x1B8B  }
0xa2: {  	_ =	swait.ge [sflag:s23], $0x1  }
0xa3: {  	[sflag:s23] =	ssyncset.done $0x0  }
0xa4: {  	s25 =	simm.s32 $0x1B8E;
	s24 =	sld [smem:$0x3FFE];
	[sflag:s23] =	ssyncadd.s32 $0xFFFFFFFF  }
0xa5: {  	s26 =	simm.s32 $execute0_lowered;
	[smem:$0x3FD2] =	sst s25  }
0xa6: {  	s4 =	sshll.u32 s26, $0x1;
	_ =	strace $0x80000046;
	[dreg:$0x1] =	wrdreg $0xFFFFFFFF  }
0xa7: {  	s28 =	simm.s32 $_size_execute0_lowered;
	s2 =	sadd.s32 s2, s4;
	[dreg:$0x0] =	wrdreg $0x0  }
0xa8: {  	s4 =	sshll.u32 s28, $0x1;
	[dreg:$0x2] =	wrdreg s2  }
0xa9: {  	[dreg:$0x3] =	wrdreg s4  }
0xaa: {  	[dreg:$0x4] =	wrdreg $0xC0  }
0xab: {  	_ =	task [dreg:s6], $0x5FFFF  }
0xac: {  	[dreg:$0x1] =	wrdreg $0xFFFFFFFF  }
0xad: {  	[dreg:$0x0] =	wrdreg $0x60  }
0xae: {  	[dreg:$0x2] =	wrdreg s24  }
0xaf: {  	[dreg:$0x3] =	wrdreg $0x9  }
0xb0: {  	_ =	task.clear_ibuf [dreg:s6], $0x4FFFF;
	_ =	strace $0x90000046  }
0xb1: {  	s29 =	simm.s32 $0x9;
	_ =	strace $0x80000048  }
0xb2: {  	_ =	swait.ge [sflag:s29], $0x1  }
0xb3: {  	[sflag:s29] =	ssyncadd.s32 $0xFFFFFFFF  }
0xb4: {  	_ =	strace $0x90000048  }
0xb5: {  	_ =	sfence  }
0xb6: {  	s30 =	sld [smem:$0x0];
	_ =	sdelay $0x2  }
0xb7: {  	s31 =	sshll.u32 s1, $0xD;
	s1 =	sshrl.u32 s1, $0x2  }
0xb8: {  	s3 =	sand.u32 $0x4000, s31;
	s1 =	sadd.s32 s1, s30  }
0xb9: {  	s0 =	sor.u32 s3, s0;
	s1 =	sshll.u32 s1, $0x11  }
0xba: {  	s0 =	sor.u32 s1, s0  }
0xbb: {  	s0 =	sadd.s32 $0x8F2B, s0  }
0xbc: {  	[sflag:s0] =	ssyncadd.remote.s32 $0x1  }
0xbd: {  	_ =	sfence.sel $0xFFFF  }
0xbe: {  	[dreg:$0x0] =	wrdreg $0xFFFFFFFF;
	(pc) =	sbr.abs _section_cstart, $3  }
0xbf: {  	[dreg:$0x1] =	wrdreg $0xFFFFFFFF  }
0xc0: {  	_ =	task.clear_ibuf [dreg:s6], $0x2FFFF;
	_ =	strace $0x9FFFFFFF  }
0xc1: {  	(tm) =	ssettm $0x7FFFFFFF  }
tec
execute0_lowered:
.L_overlay_start_1:
0x0: {  	(tag) =	ssettag $0x1  }
0x1: {  	s0 =	srdreg.scid  }
0x2: {  	s0 =	sand.u32 $0x1, s0  }
0x3: {  	s2 =	stileid.u32;
	p0 =	seq.s32 s0, $0x1  }
0x4: {  	s1 =	rddreg [dreg:$0x0];
	s3 =	simm.s32 $0x0;
	p1 =	sgt.u32 @!p0 s2, $0x9  }
0x5: {  	[smem:$0x7FF] =	sst s3;
	s3 =	sadd.s32 $0x1E00, s1;
	p0 =	por p1, p0  }
0x6: {  	s5 =	sadd.s32 $0x1400, s1;
	s0 =	rddreg [dreg:$0x1];
	s4 =	sshll.u32 @!p0 s2, $0x8  }
0x7: {  	_ =	strace $0x80000047;
	s6 =	simm.s32 @!p0 $0x0;
	s3 =	sadd.s32 @!p0 s3, s4  }
0x8: {  	[tilespmem:s6], [sflag:$0x1] =	stream.linear.gather @!p0 [hbm4b:s3+s6], $0x800, $0x38;
	[tilespmem:$0x3000] =	vst v63  }
0x9: {  	s7 =	simm.s32 @!p0 $0x800;
	s5 =	sadd.s32 @!p0 s5, s4;
	s3 =	sadd.s32 $0x4600, s1  }
0xa: {  	[tilespmem:s7], [sflag:$0x1] =	stream.linear.gather @!p0 [hbm4b:s5+s6], $0x800, $0x38;
	[tilespmem:$0x3000] =	vst v63  }
0xb: {  	s3 =	sadd.s32 @!p0 s3, s4;
	s5 =	sadd.s32 $0x3200, s1;
	s7 =	simm.s32 @!p0 $0x1000  }
0xc: {  	[tilespmem:s7], [sflag:$0x1] =	stream.linear.gather @!p0 [hbm4b:s3+s6], $0x800, $0x38;
	[tilespmem:$0x3000] =	vst v63  }
0xd: {  	s5 =	sadd.s32 @!p0 s5, s4;
	s3 =	sadd.s32 $0x3C00, s1;
	s7 =	simm.s32 @!p0 $0x1800  }
0xe: {  	[tilespmem:s7], [sflag:$0x1] =	stream.linear.gather @!p0 [hbm4b:s5+s6], $0x800, $0x38;
	[tilespmem:$0x3000] =	vst v63  }
0xf: {  	s1 =	sadd.s32 $0x2800, s1;
	s3 =	sadd.s32 @!p0 s3, s4;
	s5 =	simm.s32 @!p0 $0x2000  }
0x10: {  	[tilespmem:s5], [sflag:$0x1] =	stream.linear.gather @!p0 [hbm4b:s3+s6], $0x800, $0x38;
	[tilespmem:$0x3000] =	vst v63  }
0x11: {  	s1 =	sadd.s32 @!p0 s1, s4;
	s3 =	simm.s32 @!p0 $0x2800  }
0x12: {  	[tilespmem:s3], [sflag:$0x1] =	stream.linear.gather @!p0 [hbm4b:s1+s6], $0x800, $0x38;
	[tilespmem:$0x3000] =	vst v63  }
0x13: {  	s1 =	simm.s32 @!p0 $0x1  }
0x14: {  	_ =	swait.ge @!p0 [sflag:s1], $0x800  }
0x15: {  	[sflag:s1] =	ssyncset.done @!p0 $0x0  }
0x16: {  	[sflag:s1] =	ssyncadd.s32 @!p0 $0xFFFFF800  }
0x17: {  	_ =	swait.ge @!p0 [sflag:s1], $0x800  }
0x18: {  	[sflag:s1] =	ssyncset.done @!p0 $0x0  }
0x19: {  	[sflag:s1] =	ssyncadd.s32 @!p0 $0xFFFFF800  }
0x1a: {  	_ =	swait.ge @!p0 [sflag:s1], $0x800  }
0x1b: {  	[sflag:s1] =	ssyncset.done @!p0 $0x0  }
0x1c: {  	[sflag:s1] =	ssyncadd.s32 @!p0 $0xFFFFF800  }
0x1d: {  	_ =	swait.ge @!p0 [sflag:s1], $0x800  }
0x1e: {  	[sflag:s1] =	ssyncset.done @!p0 $0x0  }
0x1f: {  	[sflag:s1] =	ssyncadd.s32 @!p0 $0xFFFFF800  }
0x20: {  	_ =	swait.ge @!p0 [sflag:s1], $0x800  }
0x21: {  	[sflag:s1] =	ssyncset.done @!p0 $0x0  }
0x22: {  	[sflag:s1] =	ssyncadd.s32 @!p0 $0xFFFFF800  }
0x23: {  	_ =	swait.ge @!p0 [sflag:s1], $0x800  }
0x24: {  	[sflag:s1] =	ssyncset.done @!p0 $0x0  }
0x25: {  	[sflag:s1] =	ssyncadd.s32 @!p0 $0xFFFFF800  }
0x26: {  	_ =	sfence.sel $0x180000  }
0x27: {  	[bflag:$0x0] =	sbarrier.arrive $0xFFFF  }
0x28: {  	p0 =	sne.s32 s2, $0x0;
	_ =	strace $0x90000047  }
0x29: {  	s0 =	sadd.s32 @!p0 $0x100000, s0;
	[bflag:$0x2] =	sbarrier.arrive $0xFFFF  }
0x2a: {  	[sflag:s0] =	ssyncadd.tile.s32 @!p0 $0x1;
	_ =	shalt  }
.Lfunc_end2:
_tile_overlayer_lowered:
.L_overlay_start_2:
0x2b: {  	(tag) =	ssettag $0x2  }
0x2c: {  	s0 =	rddreg [dreg:$0x0];
	s2 =	stileid.u32  }
0x2d: {  	s1 =	rddreg [dreg:$0x1];
	p0 =	sne.s32 s2, $0x0  }
0x2e: {  	s3 =	rddreg [dreg:$0x2];
	[bflag:$0x3] =	sbarrier.arrive $0xFFFF;
	s2 =	simm.s32 @!p0 $0x1C02  }
0x2f: {  	[timem:s3], [sflag:s2] =	dma.local @!p0 [hbm:s0], s1  }
0x30: {  	s0 =	simm.s32 @!p0 $0x2  }
0x31: {  	_ =	swait.ge @!p0 [sflag:s0], s1  }
0x32: {  	s1 =	ssub.s32 @!p0 $0x0, s1;
	[sflag:s0] =	ssyncset.done @!p0 $0x0  }
0x33: {  	[sflag:s0] =	ssyncadd.s32 @!p0 s1  }
0x34: {  	[bflag:$0x3] =	sbarrier.arrive $0xFFFF  }
0x35: {  	_ =	shalt  }

</sc_bundles>
